<compile_context>
chip_gen: v7x
topology: tpu7x:2x2x1
jax: 0.10.2.dev20260603
libtpu: 0.0.44.dev20260713+nightly
codegen_flags: <defaults>
</compile_context>

<pallas_src>
import functools

import jax
import jax.numpy as jnp
from jax import lax
from jax.experimental import pallas as pl
from jax.experimental.pallas import tpu as pltpu
from jax.experimental.pallas import tpu_sc as plsc

B = 16384
D = 64
NC = 2
NS = 16
NW = NC * NS
BPW = B // NW

_mesh = plsc.VectorSubcoreMesh(
    core_axis_name="c", subcore_axis_name="s", num_cores=NC, num_subcores=NS
)


@functools.partial(
    pl.kernel,
    out_type=jax.ShapeDtypeStruct((B * D,), jnp.bfloat16),
    mesh=_mesh,
    scratch_types=[
        pltpu.VMEM((BPW,), jnp.int32),
        pltpu.VMEM((BPW, D), jnp.float32),
        pltpu.VMEM((BPW * D,), jnp.bfloat16),
        pltpu.SemaphoreType.DMA,
    ],
    compiler_params=pltpu.CompilerParams(use_tc_tiling_on_sc=False),
)
def _gather_cast(idx_hbm, table_hbm, out_hbm, idx_v, rows_v, out_v, sem):
    wid = lax.axis_index("s") * NC + lax.axis_index("c")
    base = wid * BPW
    pltpu.sync_copy(idx_hbm.at[pl.ds(base, BPW)], idx_v)
    pltpu.async_copy(table_hbm.at[idx_v], rows_v, sem).wait()

    def cast_row(r, carry):
        for h in range(4):
            out_v[pl.ds(r * D + h * 16, 16)] = rows_v[r, pl.ds(h * 16, 16)].astype(
                jnp.bfloat16
            )
        return carry

    lax.fori_loop(0, BPW, cast_row, 0, unroll=4)
    pltpu.sync_copy(out_v, out_hbm.at[pl.ds(base * D, BPW * D)])


@jax.jit
def kernel(inputs, weights):
    return _gather_cast(inputs, weights).reshape(B, D)

# --- scband reference (transcript-rebuilt; emitter-appended) ---
"""Pipeline reference for scband-casted-sparse-embedding-59657095741632 (READ-ONLY COPY).

The authoritative reference and input builder live on the scoring server;
editing this copy changes nothing except your own understanding.
"""

import jax, jax.numpy as jnp
import numpy as np

NUM_EMBEDDINGS = 1000000
EMBEDDING_DIM = 64
BATCH_SIZE = 16384
INIT_STD = 0.02


def setup_inputs(seed: int = 0) -> dict:
    key = jax.random.key(seed)
    k_idx, k_w = jax.random.split(key)
    inputs = jax.random.randint(k_idx, (BATCH_SIZE,), 0, NUM_EMBEDDINGS, dtype=jnp.int32)
    # trunc_normal_init_ approximated by normal scaled by init_std, clipped to +-2*std
    weights = jnp.clip(
        jax.random.normal(k_w, (NUM_EMBEDDINGS, EMBEDDING_DIM), dtype=jnp.float32) * INIT_STD,
        -2.0 * INIT_STD,
        2.0 * INIT_STD,
    )
    return {"inputs": inputs, "weights": weights}


def reference(inputs, weights):
    # CastedSparseEmbedding.forward (training path math == eval path math):
    # gather rows of the embedding table then cast to the target dtype (bfloat16)
    gathered = jnp.take(weights, inputs, axis=0)
    return gathered.astype(jnp.bfloat16)

if __name__ == "__main__":
    import jax
    _d = setup_inputs()
    print(jax.jit(kernel)(*tuple(_d.values())))

</pallas_src>

<mosaic_0001>
#map = affine_map<(d0, d1) -> (0)>
#map1 = affine_map<(d0, d1) -> (0, 0)>
module attributes {stable_mosaic.version = 14 : i64} {
  func.func @_gather_cast(%arg0: i32, %arg1: i32, %arg2: memref<16384xi32, #tpu.memory_space<hbm>>, %arg3: memref<1000000x64xf32, #tpu.memory_space<hbm>>, %arg4: memref<1048576xbf16, #tpu.memory_space<hbm>>, %arg5: memref<512xi32, #tpu.memory_space<vmem>>, %arg6: memref<512x64xf32, #tpu.memory_space<vmem>>, %arg7: memref<32768xbf16, #tpu.memory_space<vmem>>, %arg8: memref<!tpu.dma_semaphore, #tpu.memory_space<semaphore_mem>>) attributes {dimension_semantics = [#tpu.dimension_semantics<core_parallel>, #tpu.dimension_semantics<subcore_parallel>], iteration_bounds = array<i64: 2, 16>, scalar_prefetch = 0 : i64, scratch_operands = 4 : i64, tpu.core_type = #tpu.core_type<sc_vector_subcore>, window_params = [{transform_indices = #map}, {transform_indices = #map1}, {transform_indices = #map}]} {
    %mul3A = arith.constant 2 : i32
    %mul3A_0 = arith.muli %arg1, %mul3A : i32
    %add3A = arith.addi %mul3A_0, %arg0 : i32
    %mul3A_1 = arith.constant 512 : i32
    %mul3A_2 = arith.muli %add3A, %mul3A_1 : i32
    "tpu.region"() ({
      %run_scoped3A = tpu.sem_alloc : memref<!tpu.dma_semaphore, #tpu.memory_space<semaphore_mem>>
      %dma_start3A_14 = tpu.memref_slice %arg2[%mul3A_2] : memref<16384xi32, #tpu.memory_space<hbm>> -> memref<512xi32, #tpu.memory_space<hbm>>
      %dma_start3A_15 = tpu.memref_slice %arg2[%mul3A_2] : memref<16384xi32, #tpu.memory_space<hbm>> -> memref<512xi32, #tpu.memory_space<hbm>>
      tpu.enqueue_dma source(%dma_start3A_15 : memref<512xi32, #tpu.memory_space<hbm>>) target(%arg5 : memref<512xi32, #tpu.memory_space<vmem>>) target_semaphore(%run_scoped3A : memref<!tpu.dma_semaphore, #tpu.memory_space<semaphore_mem>>)
      %dma_wait3A_16 = tpu.memref_slice %arg2[%mul3A_2] : memref<16384xi32, #tpu.memory_space<hbm>> -> memref<512xi32, #tpu.memory_space<hbm>>
      %dma_wait3A_17 = tpu.memref_slice %arg2[%mul3A_2] : memref<16384xi32, #tpu.memory_space<hbm>> -> memref<512xi32, #tpu.memory_space<hbm>>
      tpu.wait_dma2 semaphore(%run_scoped3A : memref<!tpu.dma_semaphore, #tpu.memory_space<semaphore_mem>>) src(%dma_wait3A_17 : memref<512xi32, #tpu.memory_space<hbm>>) dst(%arg5 : memref<512xi32, #tpu.memory_space<vmem>>)
      tpu.yield
    }) : () -> ()
    %dma_start3A = arith.constant 0 : i32
    %dma_start3A_3 = arith.constant 0 : i32
    %dma_start3A_4 = tpu.memref_slice %arg3[%dma_start3A, %dma_start3A_3] : memref<1000000x64xf32, #tpu.memory_space<hbm>> -> memref<1000000x64xf32, #tpu.memory_space<hbm>>
    tpu.enqueue_indirect_dma source(%dma_start3A_4 : memref<1000000x64xf32, #tpu.memory_space<hbm>>) target(%arg6 : memref<512x64xf32, #tpu.memory_space<vmem>>) offsets(%arg5 : memref<512xi32, #tpu.memory_space<vmem>>) semaphore(%arg8 : memref<!tpu.dma_semaphore, #tpu.memory_space<semaphore_mem>>)
    %dma_wait3A = arith.constant 0 : i32
    %dma_wait3A_5 = arith.constant 0 : i32
    %dma_wait3A_6 = tpu.memref_slice %arg3[%dma_wait3A, %dma_wait3A_5] : memref<1000000x64xf32, #tpu.memory_space<hbm>> -> memref<1000000x64xf32, #tpu.memory_space<hbm>>
    tpu.wait_indirect_dma semaphore(%arg8 : memref<!tpu.dma_semaphore, #tpu.memory_space<semaphore_mem>>) src(%dma_wait3A_6 : memref<1000000x64xf32, #tpu.memory_space<hbm>>) dst(%arg6 : memref<512x64xf32, #tpu.memory_space<vmem>>)
    %scan3A = arith.constant 0 : i32
    %scan3A_7 = arith.constant 0 : i32
    %scan3A_8 = arith.constant 512 : i32
    %scan3A_9 = arith.addi %scan3A_7, %scan3A_8 : i32
    %scan3A_10 = arith.constant 4 : i32
    scf.for %scan3A_14 = %scan3A_7 to %scan3A_9 step %scan3A_10  : i32 {
      %get3A = arith.index_cast %scan3A_14 : i32 to index
      %get3A_15 = arith.constant 0 : index
      %get3A_16 = tpu.vector_load %arg6[%get3A, %get3A_15] {strides = array<i32>} : memref<512x64xf32, #tpu.memory_space<vmem>>, vector<1x16xf32>,
      %get3A_17 = vector.shape_cast %get3A_16 : vector<1x16xf32> to vector<16xf32>
      %convert_element_type3A = arith.truncf %get3A_17 : vector<16xf32> to vector<16xbf16>
      %mul3A_18 = arith.constant 64 : i32
      %mul3A_19 = arith.muli %scan3A_14, %mul3A_18 : i32
      %add3A_20 = arith.constant 0 : i32
      %add3A_21 = arith.addi %mul3A_19, %add3A_20 : i32
      %swap3A = arith.index_cast %add3A_21 : i32 to index
      %swap3A_22 = tpu.vector_load %arg7[%swap3A] {strides = array<i32>} : memref<32768xbf16, #tpu.memory_space<vmem>>, vector<16xbf16>,
      %swap3A_23 = vector.shape_cast %swap3A_22 : vector<16xbf16> to vector<16xbf16>
      %swap3A_24 = vector.shape_cast %convert_element_type3A : vector<16xbf16> to vector<16xbf16>
      tpu.vector_store %arg7[%swap3A], %swap3A_24 {strides = array<i32>} : memref<32768xbf16, #tpu.memory_space<vmem>>, vector<16xbf16>,
      %get3A_25 = arith.index_cast %scan3A_14 : i32 to index
      %get3A_26 = arith.constant 16 : index
      %get3A_27 = tpu.vector_load %arg6[%get3A_25, %get3A_26] {strides = array<i32>} : memref<512x64xf32, #tpu.memory_space<vmem>>, vector<1x16xf32>,
      %get3A_28 = vector.shape_cast %get3A_27 : vector<1x16xf32> to vector<16xf32>
      %convert_element_type3A_29 = arith.truncf %get3A_28 : vector<16xf32> to vector<16xbf16>
      %mul3A_30 = arith.constant 64 : i32
      %mul3A_31 = arith.muli %scan3A_14, %mul3A_30 : i32
      %add3A_32 = arith.constant 16 : i32
      %add3A_33 = arith.addi %mul3A_31, %add3A_32 : i32
      %swap3A_34 = arith.index_cast %add3A_33 : i32 to index
      %swap3A_35 = tpu.vector_load %arg7[%swap3A_34] {strides = array<i32>} : memref<32768xbf16, #tpu.memory_space<vmem>>, vector<16xbf16>,
      %swap3A_36 = vector.shape_cast %swap3A_35 : vector<16xbf16> to vector<16xbf16>
      %swap3A_37 = vector.shape_cast %convert_element_type3A_29 : vector<16xbf16> to vector<16xbf16>
      tpu.vector_store %arg7[%swap3A_34], %swap3A_37 {strides = array<i32>} : memref<32768xbf16, #tpu.memory_space<vmem>>, vector<16xbf16>,
      %get3A_38 = arith.index_cast %scan3A_14 : i32 to index
      %get3A_39 = arith.constant 32 : index
      %get3A_40 = tpu.vector_load %arg6[%get3A_38, %get3A_39] {strides = array<i32>} : memref<512x64xf32, #tpu.memory_space<vmem>>, vector<1x16xf32>,
      %get3A_41 = vector.shape_cast %get3A_40 : vector<1x16xf32> to vector<16xf32>
      %convert_element_type3A_42 = arith.truncf %get3A_41 : vector<16xf32> to vector<16xbf16>
      %mul3A_43 = arith.constant 64 : i32
      %mul3A_44 = arith.muli %scan3A_14, %mul3A_43 : i32
      %add3A_45 = arith.constant 32 : i32
      %add3A_46 = arith.addi %mul3A_44, %add3A_45 : i32
      %swap3A_47 = arith.index_cast %add3A_46 : i32 to index
      %swap3A_48 = tpu.vector_load %arg7[%swap3A_47] {strides = array<i32>} : memref<32768xbf16, #tpu.memory_space<vmem>>, vector<16xbf16>,
      %swap3A_49 = vector.shape_cast %swap3A_48 : vector<16xbf16> to vector<16xbf16>
      %swap3A_50 = vector.shape_cast %convert_element_type3A_42 : vector<16xbf16> to vector<16xbf16>
      tpu.vector_store %arg7[%swap3A_47], %swap3A_50 {strides = array<i32>} : memref<32768xbf16, #tpu.memory_space<vmem>>, vector<16xbf16>,
      %get3A_51 = arith.index_cast %scan3A_14 : i32 to index
      %get3A_52 = arith.constant 48 : index
      %get3A_53 = tpu.vector_load %arg6[%get3A_51, %get3A_52] {strides = array<i32>} : memref<512x64xf32, #tpu.memory_space<vmem>>, vector<1x16xf32>,
      %get3A_54 = vector.shape_cast %get3A_53 : vector<1x16xf32> to vector<16xf32>
      %convert_element_type3A_55 = arith.truncf %get3A_54 : vector<16xf32> to vector<16xbf16>
      %mul3A_56 = arith.constant 64 : i32
      %mul3A_57 = arith.muli %scan3A_14, %mul3A_56 : i32
      %add3A_58 = arith.constant 48 : i32
      %add3A_59 = arith.addi %mul3A_57, %add3A_58 : i32
      %swap3A_60 = arith.index_cast %add3A_59 : i32 to index
      %swap3A_61 = tpu.vector_load %arg7[%swap3A_60] {strides = array<i32>} : memref<32768xbf16, #tpu.memory_space<vmem>>, vector<16xbf16>,
      %swap3A_62 = vector.shape_cast %swap3A_61 : vector<16xbf16> to vector<16xbf16>
      %swap3A_63 = vector.shape_cast %convert_element_type3A_55 : vector<16xbf16> to vector<16xbf16>
      tpu.vector_store %arg7[%swap3A_60], %swap3A_63 {strides = array<i32>} : memref<32768xbf16, #tpu.memory_space<vmem>>, vector<16xbf16>,
      %scan3A_64 = arith.constant 1 : i32
      %scan3A_65 = arith.addi %scan3A_14, %scan3A_64 : i32
      %get3A_66 = arith.index_cast %scan3A_65 : i32 to index
      %get3A_67 = arith.constant 0 : index
      %get3A_68 = tpu.vector_load %arg6[%get3A_66, %get3A_67] {strides = array<i32>} : memref<512x64xf32, #tpu.memory_space<vmem>>, vector<1x16xf32>,
      %get3A_69 = vector.shape_cast %get3A_68 : vector<1x16xf32> to vector<16xf32>
      %convert_element_type3A_70 = arith.truncf %get3A_69 : vector<16xf32> to vector<16xbf16>
      %mul3A_71 = arith.constant 64 : i32
      %mul3A_72 = arith.muli %scan3A_65, %mul3A_71 : i32
      %add3A_73 = arith.constant 0 : i32
      %add3A_74 = arith.addi %mul3A_72, %add3A_73 : i32
      %swap3A_75 = arith.index_cast %add3A_74 : i32 to index
      %swap3A_76 = tpu.vector_load %arg7[%swap3A_75] {strides = array<i32>} : memref<32768xbf16, #tpu.memory_space<vmem>>, vector<16xbf16>,
      %swap3A_77 = vector.shape_cast %swap3A_76 : vector<16xbf16> to vector<16xbf16>
      %swap3A_78 = vector.shape_cast %convert_element_type3A_70 : vector<16xbf16> to vector<16xbf16>
      tpu.vector_store %arg7[%swap3A_75], %swap3A_78 {strides = array<i32>} : memref<32768xbf16, #tpu.memory_space<vmem>>, vector<16xbf16>,
      %get3A_79 = arith.index_cast %scan3A_65 : i32 to index
      %get3A_80 = arith.constant 16 : index
      %get3A_81 = tpu.vector_load %arg6[%get3A_79, %get3A_80] {strides = array<i32>} : memref<512x64xf32, #tpu.memory_space<vmem>>, vector<1x16xf32>,
      %get3A_82 = vector.shape_cast %get3A_81 : vector<1x16xf32> to vector<16xf32>
      %convert_element_type3A_83 = arith.truncf %get3A_82 : vector<16xf32> to vector<16xbf16>
      %mul3A_84 = arith.constant 64 : i32
      %mul3A_85 = arith.muli %scan3A_65, %mul3A_84 : i32
      %add3A_86 = arith.constant 16 : i32
      %add3A_87 = arith.addi %mul3A_85, %add3A_86 : i32
      %swap3A_88 = arith.index_cast %add3A_87 : i32 to index
      %swap3A_89 = tpu.vector_load %arg7[%swap3A_88] {strides = array<i32>} : memref<32768xbf16, #tpu.memory_space<vmem>>, vector<16xbf16>,
      %swap3A_90 = vector.shape_cast %swap3A_89 : vector<16xbf16> to vector<16xbf16>
      %swap3A_91 = vector.shape_cast %convert_element_type3A_83 : vector<16xbf16> to vector<16xbf16>
      tpu.vector_store %arg7[%swap3A_88], %swap3A_91 {strides = array<i32>} : memref<32768xbf16, #tpu.memory_space<vmem>>, vector<16xbf16>,
      %get3A_92 = arith.index_cast %scan3A_65 : i32 to index
      %get3A_93 = arith.constant 32 : index
      %get3A_94 = tpu.vector_load %arg6[%get3A_92, %get3A_93] {strides = array<i32>} : memref<512x64xf32, #tpu.memory_space<vmem>>, vector<1x16xf32>,
      %get3A_95 = vector.shape_cast %get3A_94 : vector<1x16xf32> to vector<16xf32>
      %convert_element_type3A_96 = arith.truncf %get3A_95 : vector<16xf32> to vector<16xbf16>
      %mul3A_97 = arith.constant 64 : i32
      %mul3A_98 = arith.muli %scan3A_65, %mul3A_97 : i32
      %add3A_99 = arith.constant 32 : i32
      %add3A_100 = arith.addi %mul3A_98, %add3A_99 : i32
      %swap3A_101 = arith.index_cast %add3A_100 : i32 to index
      %swap3A_102 = tpu.vector_load %arg7[%swap3A_101] {strides = array<i32>} : memref<32768xbf16, #tpu.memory_space<vmem>>, vector<16xbf16>,
      %swap3A_103 = vector.shape_cast %swap3A_102 : vector<16xbf16> to vector<16xbf16>
      %swap3A_104 = vector.shape_cast %convert_element_type3A_96 : vector<16xbf16> to vector<16xbf16>
      tpu.vector_store %arg7[%swap3A_101], %swap3A_104 {strides = array<i32>} : memref<32768xbf16, #tpu.memory_space<vmem>>, vector<16xbf16>,
      %get3A_105 = arith.index_cast %scan3A_65 : i32 to index
      %get3A_106 = arith.constant 48 : index
      %get3A_107 = tpu.vector_load %arg6[%get3A_105, %get3A_106] {strides = array<i32>} : memref<512x64xf32, #tpu.memory_space<vmem>>, vector<1x16xf32>,
      %get3A_108 = vector.shape_cast %get3A_107 : vector<1x16xf32> to vector<16xf32>
      %convert_element_type3A_109 = arith.truncf %get3A_108 : vector<16xf32> to vector<16xbf16>
      %mul3A_110 = arith.constant 64 : i32
      %mul3A_111 = arith.muli %scan3A_65, %mul3A_110 : i32
      %add3A_112 = arith.constant 48 : i32
      %add3A_113 = arith.addi %mul3A_111, %add3A_112 : i32
      %swap3A_114 = arith.index_cast %add3A_113 : i32 to index
      %swap3A_115 = tpu.vector_load %arg7[%swap3A_114] {strides = array<i32>} : memref<32768xbf16, #tpu.memory_space<vmem>>, vector<16xbf16>,
      %swap3A_116 = vector.shape_cast %swap3A_115 : vector<16xbf16> to vector<16xbf16>
      %swap3A_117 = vector.shape_cast %convert_element_type3A_109 : vector<16xbf16> to vector<16xbf16>
      tpu.vector_store %arg7[%swap3A_114], %swap3A_117 {strides = array<i32>} : memref<32768xbf16, #tpu.memory_space<vmem>>, vector<16xbf16>,
      %scan3A_118 = arith.constant 2 : i32
      %scan3A_119 = arith.addi %scan3A_14, %scan3A_118 : i32
      %get3A_120 = arith.index_cast %scan3A_119 : i32 to index
      %get3A_121 = arith.constant 0 : index
      %get3A_122 = tpu.vector_load %arg6[%get3A_120, %get3A_121] {strides = array<i32>} : memref<512x64xf32, #tpu.memory_space<vmem>>, vector<1x16xf32>,
      %get3A_123 = vector.shape_cast %get3A_122 : vector<1x16xf32> to vector<16xf32>
      %convert_element_type3A_124 = arith.truncf %get3A_123 : vector<16xf32> to vector<16xbf16>
      %mul3A_125 = arith.constant 64 : i32
      %mul3A_126 = arith.muli %scan3A_119, %mul3A_125 : i32
      %add3A_127 = arith.constant 0 : i32
      %add3A_128 = arith.addi %mul3A_126, %add3A_127 : i32
      %swap3A_129 = arith.index_cast %add3A_128 : i32 to index
      %swap3A_130 = tpu.vector_load %arg7[%swap3A_129] {strides = array<i32>} : memref<32768xbf16, #tpu.memory_space<vmem>>, vector<16xbf16>,
      %swap3A_131 = vector.shape_cast %swap3A_130 : vector<16xbf16> to vector<16xbf16>
      %swap3A_132 = vector.shape_cast %convert_element_type3A_124 : vector<16xbf16> to vector<16xbf16>
      tpu.vector_store %arg7[%swap3A_129], %swap3A_132 {strides = array<i32>} : memref<32768xbf16, #tpu.memory_space<vmem>>, vector<16xbf16>,
      %get3A_133 = arith.index_cast %scan3A_119 : i32 to index
      %get3A_134 = arith.constant 16 : index
      %get3A_135 = tpu.vector_load %arg6[%get3A_133, %get3A_134] {strides = array<i32>} : memref<512x64xf32, #tpu.memory_space<vmem>>, vector<1x16xf32>,
      %get3A_136 = vector.shape_cast %get3A_135 : vector<1x16xf32> to vector<16xf32>
      %convert_element_type3A_137 = arith.truncf %get3A_136 : vector<16xf32> to vector<16xbf16>
      %mul3A_138 = arith.constant 64 : i32
      %mul3A_139 = arith.muli %scan3A_119, %mul3A_138 : i32
      %add3A_140 = arith.constant 16 : i32
      %add3A_141 = arith.addi %mul3A_139, %add3A_140 : i32
      %swap3A_142 = arith.index_cast %add3A_141 : i32 to index
      %swap3A_143 = tpu.vector_load %arg7[%swap3A_142] {strides = array<i32>} : memref<32768xbf16, #tpu.memory_space<vmem>>, vector<16xbf16>,
      %swap3A_144 = vector.shape_cast %swap3A_143 : vector<16xbf16> to vector<16xbf16>
      %swap3A_145 = vector.shape_cast %convert_element_type3A_137 : vector<16xbf16> to vector<16xbf16>
      tpu.vector_store %arg7[%swap3A_142], %swap3A_145 {strides = array<i32>} : memref<32768xbf16, #tpu.memory_space<vmem>>, vector<16xbf16>,
      %get3A_146 = arith.index_cast %scan3A_119 : i32 to index
      %get3A_147 = arith.constant 32 : index
      %get3A_148 = tpu.vector_load %arg6[%get3A_146, %get3A_147] {strides = array<i32>} : memref<512x64xf32, #tpu.memory_space<vmem>>, vector<1x16xf32>,
      %get3A_149 = vector.shape_cast %get3A_148 : vector<1x16xf32> to vector<16xf32>
      %convert_element_type3A_150 = arith.truncf %get3A_149 : vector<16xf32> to vector<16xbf16>
      %mul3A_151 = arith.constant 64 : i32
      %mul3A_152 = arith.muli %scan3A_119, %mul3A_151 : i32
      %add3A_153 = arith.constant 32 : i32
      %add3A_154 = arith.addi %mul3A_152, %add3A_153 : i32
      %swap3A_155 = arith.index_cast %add3A_154 : i32 to index
      %swap3A_156 = tpu.vector_load %arg7[%swap3A_155] {strides = array<i32>} : memref<32768xbf16, #tpu.memory_space<vmem>>, vector<16xbf16>,
      %swap3A_157 = vector.shape_cast %swap3A_156 : vector<16xbf16> to vector<16xbf16>
      %swap3A_158 = vector.shape_cast %convert_element_type3A_150 : vector<16xbf16> to vector<16xbf16>
      tpu.vector_store %arg7[%swap3A_155], %swap3A_158 {strides = array<i32>} : memref<32768xbf16, #tpu.memory_space<vmem>>, vector<16xbf16>,
      %get3A_159 = arith.index_cast %scan3A_119 : i32 to index
      %get3A_160 = arith.constant 48 : index
      %get3A_161 = tpu.vector_load %arg6[%get3A_159, %get3A_160] {strides = array<i32>} : memref<512x64xf32, #tpu.memory_space<vmem>>, vector<1x16xf32>,
      %get3A_162 = vector.shape_cast %get3A_161 : vector<1x16xf32> to vector<16xf32>
      %convert_element_type3A_163 = arith.truncf %get3A_162 : vector<16xf32> to vector<16xbf16>
      %mul3A_164 = arith.constant 64 : i32
      %mul3A_165 = arith.muli %scan3A_119, %mul3A_164 : i32
      %add3A_166 = arith.constant 48 : i32
      %add3A_167 = arith.addi %mul3A_165, %add3A_166 : i32
      %swap3A_168 = arith.index_cast %add3A_167 : i32 to index
      %swap3A_169 = tpu.vector_load %arg7[%swap3A_168] {strides = array<i32>} : memref<32768xbf16, #tpu.memory_space<vmem>>, vector<16xbf16>,
      %swap3A_170 = vector.shape_cast %swap3A_169 : vector<16xbf16> to vector<16xbf16>
      %swap3A_171 = vector.shape_cast %convert_element_type3A_163 : vector<16xbf16> to vector<16xbf16>
      tpu.vector_store %arg7[%swap3A_168], %swap3A_171 {strides = array<i32>} : memref<32768xbf16, #tpu.memory_space<vmem>>, vector<16xbf16>,
      %scan3A_172 = arith.constant 3 : i32
      %scan3A_173 = arith.addi %scan3A_14, %scan3A_172 : i32
      %get3A_174 = arith.index_cast %scan3A_173 : i32 to index
      %get3A_175 = arith.constant 0 : index
      %get3A_176 = tpu.vector_load %arg6[%get3A_174, %get3A_175] {strides = array<i32>} : memref<512x64xf32, #tpu.memory_space<vmem>>, vector<1x16xf32>,
      %get3A_177 = vector.shape_cast %get3A_176 : vector<1x16xf32> to vector<16xf32>
      %convert_element_type3A_178 = arith.truncf %get3A_177 : vector<16xf32> to vector<16xbf16>
      %mul3A_179 = arith.constant 64 : i32
      %mul3A_180 = arith.muli %scan3A_173, %mul3A_179 : i32
      %add3A_181 = arith.constant 0 : i32
      %add3A_182 = arith.addi %mul3A_180, %add3A_181 : i32
      %swap3A_183 = arith.index_cast %add3A_182 : i32 to index
      %swap3A_184 = tpu.vector_load %arg7[%swap3A_183] {strides = array<i32>} : memref<32768xbf16, #tpu.memory_space<vmem>>, vector<16xbf16>,
      %swap3A_185 = vector.shape_cast %swap3A_184 : vector<16xbf16> to vector<16xbf16>
      %swap3A_186 = vector.shape_cast %convert_element_type3A_178 : vector<16xbf16> to vector<16xbf16>
      tpu.vector_store %arg7[%swap3A_183], %swap3A_186 {strides = array<i32>} : memref<32768xbf16, #tpu.memory_space<vmem>>, vector<16xbf16>,
      %get3A_187 = arith.index_cast %scan3A_173 : i32 to index
      %get3A_188 = arith.constant 16 : index
      %get3A_189 = tpu.vector_load %arg6[%get3A_187, %get3A_188] {strides = array<i32>} : memref<512x64xf32, #tpu.memory_space<vmem>>, vector<1x16xf32>,
      %get3A_190 = vector.shape_cast %get3A_189 : vector<1x16xf32> to vector<16xf32>
      %convert_element_type3A_191 = arith.truncf %get3A_190 : vector<16xf32> to vector<16xbf16>
      %mul3A_192 = arith.constant 64 : i32
      %mul3A_193 = arith.muli %scan3A_173, %mul3A_192 : i32
      %add3A_194 = arith.constant 16 : i32
      %add3A_195 = arith.addi %mul3A_193, %add3A_194 : i32
      %swap3A_196 = arith.index_cast %add3A_195 : i32 to index
      %swap3A_197 = tpu.vector_load %arg7[%swap3A_196] {strides = array<i32>} : memref<32768xbf16, #tpu.memory_space<vmem>>, vector<16xbf16>,
      %swap3A_198 = vector.shape_cast %swap3A_197 : vector<16xbf16> to vector<16xbf16>
      %swap3A_199 = vector.shape_cast %convert_element_type3A_191 : vector<16xbf16> to vector<16xbf16>
      tpu.vector_store %arg7[%swap3A_196], %swap3A_199 {strides = array<i32>} : memref<32768xbf16, #tpu.memory_space<vmem>>, vector<16xbf16>,
      %get3A_200 = arith.index_cast %scan3A_173 : i32 to index
      %get3A_201 = arith.constant 32 : index
      %get3A_202 = tpu.vector_load %arg6[%get3A_200, %get3A_201] {strides = array<i32>} : memref<512x64xf32, #tpu.memory_space<vmem>>, vector<1x16xf32>,
      %get3A_203 = vector.shape_cast %get3A_202 : vector<1x16xf32> to vector<16xf32>
      %convert_element_type3A_204 = arith.truncf %get3A_203 : vector<16xf32> to vector<16xbf16>
      %mul3A_205 = arith.constant 64 : i32
      %mul3A_206 = arith.muli %scan3A_173, %mul3A_205 : i32
      %add3A_207 = arith.constant 32 : i32
      %add3A_208 = arith.addi %mul3A_206, %add3A_207 : i32
      %swap3A_209 = arith.index_cast %add3A_208 : i32 to index
      %swap3A_210 = tpu.vector_load %arg7[%swap3A_209] {strides = array<i32>} : memref<32768xbf16, #tpu.memory_space<vmem>>, vector<16xbf16>,
      %swap3A_211 = vector.shape_cast %swap3A_210 : vector<16xbf16> to vector<16xbf16>
      %swap3A_212 = vector.shape_cast %convert_element_type3A_204 : vector<16xbf16> to vector<16xbf16>
      tpu.vector_store %arg7[%swap3A_209], %swap3A_212 {strides = array<i32>} : memref<32768xbf16, #tpu.memory_space<vmem>>, vector<16xbf16>,
      %get3A_213 = arith.index_cast %scan3A_173 : i32 to index
      %get3A_214 = arith.constant 48 : index
      %get3A_215 = tpu.vector_load %arg6[%get3A_213, %get3A_214] {strides = array<i32>} : memref<512x64xf32, #tpu.memory_space<vmem>>, vector<1x16xf32>,
      %get3A_216 = vector.shape_cast %get3A_215 : vector<1x16xf32> to vector<16xf32>
      %convert_element_type3A_217 = arith.truncf %get3A_216 : vector<16xf32> to vector<16xbf16>
      %mul3A_218 = arith.constant 64 : i32
      %mul3A_219 = arith.muli %scan3A_173, %mul3A_218 : i32
      %add3A_220 = arith.constant 48 : i32
      %add3A_221 = arith.addi %mul3A_219, %add3A_220 : i32
      %swap3A_222 = arith.index_cast %add3A_221 : i32 to index
      %swap3A_223 = tpu.vector_load %arg7[%swap3A_222] {strides = array<i32>} : memref<32768xbf16, #tpu.memory_space<vmem>>, vector<16xbf16>,
      %swap3A_224 = vector.shape_cast %swap3A_223 : vector<16xbf16> to vector<16xbf16>
      %swap3A_225 = vector.shape_cast %convert_element_type3A_217 : vector<16xbf16> to vector<16xbf16>
      tpu.vector_store %arg7[%swap3A_222], %swap3A_225 {strides = array<i32>} : memref<32768xbf16, #tpu.memory_space<vmem>>, vector<16xbf16>,
    }
    %scan3A_11 = arith.constant 512 : i32
    %mul3A_12 = arith.constant 64 : i32
    %mul3A_13 = arith.muli %mul3A_2, %mul3A_12 : i32
    "tpu.region"() ({
      %run_scoped3A = tpu.sem_alloc : memref<!tpu.dma_semaphore, #tpu.memory_space<semaphore_mem>>
      %dma_start3A_14 = tpu.memref_slice %arg4[%mul3A_13] : memref<1048576xbf16, #tpu.memory_space<hbm>> -> memref<32768xbf16, #tpu.memory_space<hbm>>
      %dma_start3A_15 = tpu.memref_slice %arg4[%mul3A_13] : memref<1048576xbf16, #tpu.memory_space<hbm>> -> memref<32768xbf16, #tpu.memory_space<hbm>>
      tpu.enqueue_dma source(%arg7 : memref<32768xbf16, #tpu.memory_space<vmem>>) target(%dma_start3A_15 : memref<32768xbf16, #tpu.memory_space<hbm>>) target_semaphore(%run_scoped3A : memref<!tpu.dma_semaphore, #tpu.memory_space<semaphore_mem>>)
      %dma_wait3A_16 = tpu.memref_slice %arg4[%mul3A_13] : memref<1048576xbf16, #tpu.memory_space<hbm>> -> memref<32768xbf16, #tpu.memory_space<hbm>>
      %dma_wait3A_17 = tpu.memref_slice %arg4[%mul3A_13] : memref<1048576xbf16, #tpu.memory_space<hbm>> -> memref<32768xbf16, #tpu.memory_space<hbm>>
      tpu.wait_dma2 semaphore(%run_scoped3A : memref<!tpu.dma_semaphore, #tpu.memory_space<semaphore_mem>>) src(%arg7 : memref<32768xbf16, #tpu.memory_space<vmem>>) dst(%dma_wait3A_17 : memref<32768xbf16, #tpu.memory_space<hbm>>)
      tpu.yield
    }) : () -> ()
    return
  }
}

</mosaic_0001>

<sc_bundles>
// kernel: kernel.3.cloned.1.call-start
scs
__scs_entry_jumppad:
0x0: {  	(pc) =	sbr.rel $0x88, $3  }
0x1: {  	(tag) =	ssettag $0x0;
	lr =	simm.s32 $0x1  }
0x2: {  	[smem:$0x3F9F] =	sst lr;
	_ =	strace $0xD0000000  }
0x3: {  	_ = 	snop  }
0x4: {  	_ = 	snop  }
0x5: {  	_ = 	snop  }
0x6: {  	_ = 	snop  }
0x7: {  	_ = 	snop  }
__scs_overlays_trampoline_lowered:
0x8: {  	[smem:$0x3FAE] =	sst s0  }
0x9: {  	[smem:$0x3FAF] =	sst s1  }
0xa: {  	[smem:$0x3FB0] =	sst s2  }
0xb: {  	[smem:$0x3FB1] =	sst s3  }
0xc: {  	[smem:$0x3FB2] =	sst s4  }
0xd: {  	[smem:$0x3FB3] =	sst s5  }
0xe: {  	[smem:$0x3FB4] =	sst s6  }
0xf: {  	[smem:$0x3FB5] =	sst s7  }
0x10: {  	[smem:$0x3FB6] =	sst s8  }
0x11: {  	[smem:$0x3FB7] =	sst s9;
	s0 =	simm.s32 @!p0 $0x0  }
0x12: {  	s1 =	sld [smem:$0x3F9D];
	s0 =	simm.s32 @p0 $0x1  }
0x13: {  	[smem:$0x3FB8] =	sst s0;
	s0 =	simm.s32 @!p1 $0x0  }
0x14: {  	s2 =	sld [smem:$0x3F9C];
	s0 =	simm.s32 @p1 $0x1  }
0x15: {  	[smem:$0x3FB9] =	sst s0;
	s0 =	simm.s32 @!p2 $0x0  }
0x16: {  	s3 =	sld [smem:$0x3FDB];
	s0 =	simm.s32 @p2 $0x1  }
0x17: {  	s4 =	simm.s32 $0x1BF5;
	[smem:$0x3FBB] =	sst s0  }
0x18: {  	s0 =	sld [smem:$0x3F9E];
	_ =	swait.ge [sflag:s4], $0x0  }
0x19: {  	s7 =	sld [smem:$0x3F9F]  }
0x1a: {  	s8 =	sadd.s32 $0xFFFFE003, lr  }
0x1b: {  	s9 =	sadd.s32 $0xFFFFFEF7, lr;
	s5 =	simm.s32 $0xFFFFFFFF;
	p2 =	slt.u32 s8, $0xFFFFF086  }
0x1c: {  	p1 =	slt.u32 s9, $0xF7A;
	s5 =	simm.s32 @!p2 $0x0  }
0x1d: {  	s5 =	simm.s32 @p1 $0x1;
	p0 =	seq.s32 s7, s2  }
0x1e: {  	s7 =	smul.u32 @!p0 $0xF7A, s2;
	p2 =	seq.s32 @!p0 s5, $0x0  }
0x1f: {  	s9 =	smul.u32 $0xF7A, s1;
	s8 =	simm.s32 @!p0 $0x1BF5;
	p2 =	por !p2, p0  }
0x20: {  	[sflag:s8] =	ssyncset.s32 @!p0 $0xFFFFF086;
	s6 =	sadd.s32 @!p0 s3, s7;
	s7 =	simm.s32 @!p0 $0x108  }
0x21: {  	s3 =	sadd.s32 s3, s9;
	s6 =	sadd.s32 @!p0 $0x88, s6;
	s7 =	simm.s32 @p2 $0x1082  }
0x22: {  	[simem:s7], [sflag:s8] =	dma.local @!p0 [hbm:s6], $0xF7A  }
0x23: {  	s9 =	sor.u32 $0xD0000000, s2;
	s6 =	simm.s32 $0x108;
	_ =	swait.ge @!p0 [sflag:s8], $0x0  }
0x24: {  	s3 =	sadd.s32 $0x88, s3;
	s6 =	simm.s32 @!p1 $0x1082;
	[sflag:s4] =	ssyncset.s32 $0xFFFFF086  }
0x25: {  	[simem:s6], [sflag:s4] =	dma.local [hbm:s3], $0xF7A  }
0x26: {  	[smem:$0x3F9F] =	sst s1;
	(tag) =	ssettag s2;
	_ =	strace s9  }
0x27: {  	s1 =	sld [smem:$0x3FAF]  }
0x28: {  	s2 =	sld [smem:$0x3FB0]  }
0x29: {  	s4 =	sld [smem:$0x3FB2]  }
0x2a: {  	p0 =	seq.s32 s5, $0x0;
	s5 =	sld [smem:$0x3FB3]  }
0x2b: {  	s6 =	sld [smem:$0x3FB4]  }
0x2c: {  	s7 =	sld [smem:$0x3FB5]  }
0x2d: {  	s3 =	simm.s32 $0x108;
	s8 =	sld [smem:$0x3FB6]  }
0x2e: {  	s3 =	simm.s32 @!p0 $0x1082;
	s9 =	sld [smem:$0x3FB7]  }
0x2f: {  	lr =	sadd.s32 s0, s3;
	s0 =	sld [smem:$0x3FAE]  }
0x30: {  	s3 =	sld [smem:$0x3FB1]  }
0x31: {  	[smem:$0x3FBA] =	sst s10  }
0x32: {  	s10 =	sld [smem:$0x3FB8];
	_ =	sdelay $0x3  }
0x33: {  	p0 =	seq.s32 s10, $0x1;
	s10 =	sld [smem:$0x3FBA];
	_ =	sdelay $0x3  }
0x34: {  	[smem:$0x3FBA] =	sst s10  }
0x35: {  	s10 =	sld [smem:$0x3FB9];
	_ =	sdelay $0x3  }
0x36: {  	p1 =	seq.s32 s10, $0x1;
	s10 =	sld [smem:$0x3FBA];
	_ =	sdelay $0x3  }
0x37: {  	[smem:$0x3FBA] =	sst s10  }
0x38: {  	s10 =	sld [smem:$0x3FBB]  }
0x39: {  	_ = 	snop;
	(pc) =	sbr.ind lr, $3  }
0x3a: {  	_ = 	snop  }
0x3b: {  	_ = 	snop  }
0x3c: {  	p2 =	seq.s32 s10, $0x1;
	s10 =	sld [smem:$0x3FBA]  }
0x3d: {  	_ =	shalt  }
0x3e: {  	_ =	shalt  }
0x3f: {  	_ =	shalt  }
0x40: {  	_ =	shalt  }
0x41: {  	_ =	shalt  }
0x42: {  	_ =	shalt  }
0x43: {  	_ =	shalt  }
0x44: {  	_ =	shalt  }
0x45: {  	_ =	shalt  }
0x46: {  	_ =	shalt  }
0x47: {  	_ =	shalt  }
0x48: {  	_ =	shalt  }
0x49: {  	_ =	shalt  }
0x4a: {  	_ =	shalt  }
0x4b: {  	_ =	shalt  }
0x4c: {  	_ =	shalt  }
0x4d: {  	_ =	shalt  }
0x4e: {  	_ =	shalt  }
0x4f: {  	_ =	shalt  }
0x50: {  	_ =	shalt  }
0x51: {  	_ =	shalt  }
0x52: {  	_ =	shalt  }
0x53: {  	_ =	shalt  }
0x54: {  	_ =	shalt  }
0x55: {  	_ =	shalt  }
0x56: {  	_ =	shalt  }
0x57: {  	_ =	shalt  }
0x58: {  	_ =	shalt  }
0x59: {  	_ =	shalt  }
0x5a: {  	_ =	shalt  }
0x5b: {  	_ =	shalt  }
0x5c: {  	_ =	shalt  }
0x5d: {  	_ =	shalt  }
0x5e: {  	_ =	shalt  }
0x5f: {  	_ =	shalt  }
0x60: {  	_ =	shalt  }
0x61: {  	_ =	shalt  }
0x62: {  	_ =	shalt  }
0x63: {  	_ =	shalt  }
0x64: {  	_ =	shalt  }
0x65: {  	_ =	shalt  }
0x66: {  	_ =	shalt  }
0x67: {  	_ =	shalt  }
0x68: {  	_ =	shalt  }
0x69: {  	_ =	shalt  }
0x6a: {  	_ =	shalt  }
0x6b: {  	_ =	shalt  }
0x6c: {  	_ =	shalt  }
0x6d: {  	_ =	shalt  }
0x6e: {  	_ =	shalt  }
0x6f: {  	_ =	shalt  }
0x70: {  	_ =	shalt  }
0x71: {  	_ =	shalt  }
0x72: {  	_ =	shalt  }
0x73: {  	_ =	shalt  }
0x74: {  	_ =	shalt  }
0x75: {  	_ =	shalt  }
0x76: {  	_ =	shalt  }
0x77: {  	_ =	shalt  }
0x78: {  	_ =	shalt  }
0x79: {  	_ =	shalt  }
0x7a: {  	_ =	shalt  }
0x7b: {  	_ =	shalt  }
0x7c: {  	_ =	shalt  }
0x7d: {  	_ =	shalt  }
0x7e: {  	_ =	shalt  }
0x7f: {  	_ =	shalt  }
0x80: {  	_ =	shalt  }
0x81: {  	_ =	shalt  }
0x82: {  	_ =	shalt  }
0x83: {  	_ =	shalt  }
0x84: {  	_ =	shalt  }
0x85: {  	_ =	shalt  }
0x86: {  	_ =	shalt  }
0x87: {  	_ =	shalt  }
.Lfunc_end0:
.L_simem_size_0:
called_computation_lowered:
.L_overlay_start_0:
0x88: {  	s2 =	sld [smem:$0x3FD9]  }
0x89: {  	s3 =	sld [smem:$0x3FFE];
	_ =	sdelay $0x1  }
0x8a: {  	s1 =	srdreg.scid  }
0x8b: {  	s0 =	sand.u32 $0x1, s1  }
0x8c: {  	s17 =	sshll.u32 s0, $0xA;
	s2 =	sadd.s32 s3, s2  }
0x8d: {  	s2 =	sadd.s32 s2, s17  }
0x8e: {  	[smem:$0x3FC6] =	sst s2  }
0x8f: {  	_ = 	snop  }
0x90: {  	s2 =	sld [smem:$0x3FC9]  }
0x91: {  	s18 =	sld [smem:$0x3FD0];
	(tm) =	ssettm $0x1  }
0x92: {  	s4 =	sld [smem:$0x3FFB];
	_ =	sdelay $0x3  }
0x93: {  	_ =	strace s4  }
0x94: {  	s4 =	sld [smem:$0x3FFC];
	_ =	sdelay $0x3  }
0x95: {  	_ =	strace s4  }
0x96: {  	s4 =	sld [smem:$0x3FFD];
	_ =	sdelay $0x3  }
0x97: {  	_ =	strace s4  }
0x98: {  	_ =	strace $0x8FFFFFFF  }
0x99: {  	s19 =	sld [smem:$0x3FDB];
	_ =	sdelay $0x1  }
0x9a: {  	s5 =	simm.s32 $_scs_section_size  }
0x9b: {  	s6 =	simm.s32 $_size__tile_overlayer_lowered;
	s7 =	simm.s32 $_tile_overlayer_lowered  }
0x9c: {  	s22 =	simm.s32 $0x1BFF;
	s21 =	sshll.u32 s7, $0x1;
	s4 =	sadd.s32 s5, s19  }
0x9d: {  	s8 =	simm.s32 $0x0;
	s20 =	sshll.u32 s6, $0x1;
	s6 =	sadd.s32 s21, s4  }
0x9e: {  	[timem:s8], [sflag:s22] =	dma.local [hbm:s6], s20  }
0x9f: {  	_ =	swait.ge [sflag:s22], s20  }
0xa0: {  	s5 =	ssub.s32 $0x0, s20;
	[sflag:s22] =	ssyncset.done $0x0  }
0xa1: {  	[sflag:s22] =	ssyncadd.s32 s5;
	_ =	sdelay $0x1  }
0xa2: {  	s23 =	simm.s32 $0x1B8B  }
0xa3: {  	_ =	swait.ge [sflag:s23], $0x1  }
0xa4: {  	[sflag:s23] =	ssyncset.done $0x0  }
0xa5: {  	s25 =	simm.s32 $0x1B8E;
	s24 =	sld [smem:$0x3FFE];
	[sflag:s23] =	ssyncadd.s32 $0xFFFFFFFF  }
0xa6: {  	s26 =	simm.s32 $execute0_lowered;
	[smem:$0x3FD2] =	sst s25  }
0xa7: {  	s6 =	sshll.u32 s26, $0x1;
	_ =	strace $0x80000046;
	[dreg:$0x1] =	wrdreg $0xFFFFFFFF  }
0xa8: {  	s28 =	simm.s32 $_size_execute0_lowered;
	s4 =	sadd.s32 s4, s6;
	[dreg:$0x0] =	wrdreg $0x0  }
0xa9: {  	s6 =	sshll.u32 s28, $0x1;
	[dreg:$0x2] =	wrdreg s4  }
0xaa: {  	[dreg:$0x3] =	wrdreg s6  }
0xab: {  	[dreg:$0x4] =	wrdreg $0xC0  }
0xac: {  	_ =	task [dreg:s8], $0x5FFFF  }
0xad: {  	[dreg:$0x1] =	wrdreg $0xFFFFFFFF  }
0xae: {  	[dreg:$0x0] =	wrdreg $0x60  }
0xaf: {  	[dreg:$0x2] =	wrdreg s2  }
0xb0: {  	[dreg:$0x3] =	wrdreg s24  }
0xb1: {  	[dreg:$0x4] =	wrdreg s18  }
0xb2: {  	[dreg:$0x5] =	wrdreg $0x9  }
0xb3: {  	_ =	task.clear_ibuf [dreg:s8], $0x6FFFF;
	_ =	strace $0x90000046  }
0xb4: {  	s29 =	simm.s32 $0x9;
	_ =	strace $0x80000048  }
0xb5: {  	_ =	swait.ge [sflag:s29], $0x1  }
0xb6: {  	[sflag:s29] =	ssyncadd.s32 $0xFFFFFFFF  }
0xb7: {  	_ =	strace $0x90000048  }
0xb8: {  	_ =	sfence  }
0xb9: {  	s30 =	sld [smem:$0x0];
	_ =	sdelay $0x2  }
0xba: {  	s31 =	sshll.u32 s1, $0xD;
	s1 =	sshrl.u32 s1, $0x2  }
0xbb: {  	s3 =	sand.u32 $0x4000, s31;
	s1 =	sadd.s32 s1, s30  }
0xbc: {  	s0 =	sor.u32 s3, s0;
	s1 =	sshll.u32 s1, $0x11  }
0xbd: {  	s0 =	sor.u32 s1, s0  }
0xbe: {  	s0 =	sadd.s32 $0x8F2B, s0  }
0xbf: {  	[sflag:s0] =	ssyncadd.remote.s32 $0x1  }
0xc0: {  	_ =	sfence.sel $0xFFFF  }
0xc1: {  	[dreg:$0x0] =	wrdreg $0xFFFFFFFF;
	(pc) =	sbr.abs _section_cstart, $3  }
0xc2: {  	[dreg:$0x1] =	wrdreg $0xFFFFFFFF  }
0xc3: {  	_ =	task.clear_ibuf [dreg:s8], $0x2FFFF;
	_ =	strace $0x9FFFFFFF  }
0xc4: {  	(tm) =	ssettm $0x7FFFFFFF  }
0xc5: {  	_ =	shalt  }
tec
execute0_lowered:
.L_overlay_start_1:
0x0: {  	(tag) =	ssettag $0x1  }
0x1: {  	s4 =	rddreg [dreg:$0x0]  }
0x2: {  	s3 =	rddreg [dreg:$0x1]  }
0x3: {  	s5 =	rddreg [dreg:$0x2]  }
0x4: {  	s0 =	rddreg [dreg:$0x3];
	s2 =	simm.s32 $0x0  }
0x5: {  	s6 =	srdreg.scid;
	s1 =	stileid.u32;
	s10 =	simm.s32 $0x8200  }
0x6: {  	s11 =	simm.s32 $0x0;
	[smem:$0x7FF] =	sst s2;
	s6 =	sand.u32 $0x1, s6  }
0x7: {  	s7 =	sshll.u32 s1, $0x1;
	s3 =	sadd.s32 $0xF42800, s3;
	s8 =	ssub.s32 $0x2, s6  }
0x8: {  	_ =	strace $0x80000047;
	s6 =	sor.u32 s6, s7;
	s31 =	sshrl.u32 s8, $0x1  }
0x9: {  	s9 =	sshll.u32 s6, $0x6;
	s6 =	sshll.u32 s6, $0xB;
	s7 =	ssub.s32 s8, s31  }
0xa: {  	s4 =	sadd.s32 s4, s9;
	s5 =	sadd.s32 s5, s6;
	s8 =	simm.s32 $0x200  }
0xb: {  	s9 =	simm.s32 $0x1;
	s6 =	smax.u32 s7, $0x1;
	s7 =	simm.s32 $0x2  }
.LBB2_1:
0xc: {  	[tilespmem:s2], [sflag:$0x2] =	stream.linear.gather [hbm4b:s4+s2], $0x200, $0x38;
	[tilespmem:$0xC200] =	vst v63  }
0xd: {  	_ =	swait.ge [sflag:s7], $0x200  }
0xe: {  	[sflag:s7] =	ssyncset.done $0x0  }
0xf: {  	[sflag:s7] =	ssyncadd.s32 $0xFFFFFE00  }
0x10: {  	[tilespmem:s8], [sflag:$0x1] =	stream.indirect.gather [hbm4b:s3+s8], $0x40, s2, s8, $0xb8;
	[tilespmem:$0xC200] =	vst v63  }
0x11: {  	_ =	swait.ge [sflag:s9], $0x8000  }
0x12: {  	[sflag:s9] =	ssyncset.done $0x0  }
0x13: {  	s13 =	simm.s32 $0x280;
	[sflag:s9] =	ssyncadd.s32 $0xFFFF8000  }
0x14: {  	v0 =	vld [tilespmem:s13+$0xFFFFFF80];
	_ =	sdelay $0x4  }
0x15: {  	v0 =	vpack.c.f32.bf16 v0, v0  }
0x16: {  	s12 =	simm.s32 $0x8278  }
0x17: {  	[tilespmem:s12+$0xFFFFFF88] =	vst.msk $0xff, v0  }
0x18: {  	v0 =	vld [tilespmem:s13+$0xFFFFFF90];
	_ =	sdelay $0x4  }
0x19: {  	v0 =	vpack.c.f32.bf16 v0, v0;
	_ =	sdelay $0x1  }
0x1a: {  	[tilespmem:s12+$0xFFFFFF90] =	vst.msk $0xff, v0  }
0x1b: {  	v0 =	vld [tilespmem:s13+$0xFFFFFFA0];
	_ =	sdelay $0x4  }
0x1c: {  	v0 =	vpack.c.f32.bf16 v0, v0;
	_ =	sdelay $0x1  }
0x1d: {  	[tilespmem:s12+$0xFFFFFF98] =	vst.msk $0xff, v0  }
0x1e: {  	v0 =	vld [tilespmem:s13+$0xFFFFFFB0];
	_ =	sdelay $0x4  }
0x1f: {  	v0 =	vpack.c.f32.bf16 v0, v0;
	_ =	sdelay $0x1  }
0x20: {  	[tilespmem:s12+$0xFFFFFFA0] =	vst.msk $0xff, v0  }
0x21: {  	v0 =	vld [tilespmem:s13+$0xFFFFFFC0];
	_ =	sdelay $0x4  }
0x22: {  	v0 =	vpack.c.f32.bf16 v0, v0;
	_ =	sdelay $0x1  }
0x23: {  	[tilespmem:s12+$0xFFFFFFA8] =	vst.msk $0xff, v0  }
0x24: {  	v0 =	vld [tilespmem:s13+$0xFFFFFFD0];
	_ =	sdelay $0x4  }
0x25: {  	v0 =	vpack.c.f32.bf16 v0, v0;
	_ =	sdelay $0x1  }
0x26: {  	[tilespmem:s12+$0xFFFFFFB0] =	vst.msk $0xff, v0  }
0x27: {  	v0 =	vld [tilespmem:s13+$0xFFFFFFE0];
	_ =	sdelay $0x4  }
0x28: {  	v0 =	vpack.c.f32.bf16 v0, v0;
	_ =	sdelay $0x1  }
0x29: {  	[tilespmem:s12+$0xFFFFFFB8] =	vst.msk $0xff, v0  }
0x2a: {  	v0 =	vld [tilespmem:s13+$0xFFFFFFF0];
	_ =	sdelay $0x4  }
0x2b: {  	v0 =	vpack.c.f32.bf16 v0, v0;
	_ =	sdelay $0x1  }
0x2c: {  	[tilespmem:s12+$0xFFFFFFC0] =	vst.msk $0xff, v0  }
0x2d: {  	v0 =	vld [tilespmem:s13+$0x0];
	_ =	sdelay $0x4  }
0x2e: {  	v0 =	vpack.c.f32.bf16 v0, v0;
	_ =	sdelay $0x1  }
0x2f: {  	[tilespmem:s12+$0xFFFFFFC8] =	vst.msk $0xff, v0  }
0x30: {  	v0 =	vld [tilespmem:s13+$0x10];
	_ =	sdelay $0x4  }
0x31: {  	v0 =	vpack.c.f32.bf16 v0, v0;
	_ =	sdelay $0x1  }
0x32: {  	[tilespmem:s12+$0xFFFFFFD0] =	vst.msk $0xff, v0  }
0x33: {  	v0 =	vld [tilespmem:s13+$0x20];
	_ =	sdelay $0x4  }
0x34: {  	v0 =	vpack.c.f32.bf16 v0, v0;
	_ =	sdelay $0x1  }
0x35: {  	[tilespmem:s12+$0xFFFFFFD8] =	vst.msk $0xff, v0  }
0x36: {  	v0 =	vld [tilespmem:s13+$0x30];
	_ =	sdelay $0x4  }
0x37: {  	v0 =	vpack.c.f32.bf16 v0, v0;
	_ =	sdelay $0x1  }
0x38: {  	[tilespmem:s12+$0xFFFFFFE0] =	vst.msk $0xff, v0  }
0x39: {  	v0 =	vld [tilespmem:s13+$0x40];
	_ =	sdelay $0x4  }
0x3a: {  	v0 =	vpack.c.f32.bf16 v0, v0;
	_ =	sdelay $0x1  }
0x3b: {  	[tilespmem:s12+$0xFFFFFFE8] =	vst.msk $0xff, v0  }
0x3c: {  	v0 =	vld [tilespmem:s13+$0x50];
	_ =	sdelay $0x4  }
0x3d: {  	v0 =	vpack.c.f32.bf16 v0, v0;
	_ =	sdelay $0x1  }
0x3e: {  	[tilespmem:s12+$0xFFFFFFF0] =	vst.msk $0xff, v0  }
0x3f: {  	v0 =	vld [tilespmem:s13+$0x60];
	_ =	sdelay $0x4  }
0x40: {  	v0 =	vpack.c.f32.bf16 v0, v0;
	_ =	sdelay $0x1  }
0x41: {  	[tilespmem:s12+$0xFFFFFFF8] =	vst.msk $0xff, v0  }
0x42: {  	v0 =	vld [tilespmem:s13+$0x70];
	_ =	sdelay $0x4  }
0x43: {  	v0 =	vpack.c.f32.bf16 v0, v0;
	_ =	sdelay $0x1  }
0x44: {  	s14 =	simm.s32 $0x380;
	s13 =	simm.s32 $0x0;
	[tilespmem:s12+$0x0] =	vst.msk $0xff, v0  }
.LBB2_2:
0x45: {  	v0 =	vld [tilespmem:s14+$0xFFFFFF80];
	s13 =	sadd.s32 $0x4, s13  }
0x46: {  	p0 =	slt.u32 s13, $0x1FC;
	_ =	sdelay $0x3  }
0x47: {  	v0 =	vpack.c.f32.bf16 v0, v0  }
0x48: {  	s12 =	sadd.s32 $0x80, s12  }
0x49: {  	[tilespmem:s12+$0xFFFFFF88] =	vst.msk $0xff, v0  }
0x4a: {  	v0 =	vld [tilespmem:s14+$0xFFFFFF90];
	_ =	sdelay $0x4  }
0x4b: {  	v0 =	vpack.c.f32.bf16 v0, v0;
	_ =	sdelay $0x1  }
0x4c: {  	[tilespmem:s12+$0xFFFFFF90] =	vst.msk $0xff, v0  }
0x4d: {  	v0 =	vld [tilespmem:s14+$0xFFFFFFA0];
	_ =	sdelay $0x4  }
0x4e: {  	v0 =	vpack.c.f32.bf16 v0, v0;
	_ =	sdelay $0x1  }
0x4f: {  	[tilespmem:s12+$0xFFFFFF98] =	vst.msk $0xff, v0  }
0x50: {  	v0 =	vld [tilespmem:s14+$0xFFFFFFB0];
	_ =	sdelay $0x4  }
0x51: {  	v0 =	vpack.c.f32.bf16 v0, v0;
	_ =	sdelay $0x1  }
0x52: {  	[tilespmem:s12+$0xFFFFFFA0] =	vst.msk $0xff, v0  }
0x53: {  	v0 =	vld [tilespmem:s14+$0xFFFFFFC0];
	_ =	sdelay $0x4  }
0x54: {  	v0 =	vpack.c.f32.bf16 v0, v0;
	_ =	sdelay $0x1  }
0x55: {  	[tilespmem:s12+$0xFFFFFFA8] =	vst.msk $0xff, v0  }
0x56: {  	v0 =	vld [tilespmem:s14+$0xFFFFFFD0];
	_ =	sdelay $0x4  }
0x57: {  	v0 =	vpack.c.f32.bf16 v0, v0;
	_ =	sdelay $0x1  }
0x58: {  	[tilespmem:s12+$0xFFFFFFB0] =	vst.msk $0xff, v0  }
0x59: {  	v0 =	vld [tilespmem:s14+$0xFFFFFFE0];
	_ =	sdelay $0x4  }
0x5a: {  	v0 =	vpack.c.f32.bf16 v0, v0;
	_ =	sdelay $0x1  }
0x5b: {  	[tilespmem:s12+$0xFFFFFFB8] =	vst.msk $0xff, v0  }
0x5c: {  	v0 =	vld [tilespmem:s14+$0xFFFFFFF0];
	_ =	sdelay $0x4  }
0x5d: {  	v0 =	vpack.c.f32.bf16 v0, v0;
	_ =	sdelay $0x1  }
0x5e: {  	[tilespmem:s12+$0xFFFFFFC0] =	vst.msk $0xff, v0  }
0x5f: {  	v0 =	vld [tilespmem:s14+$0x0];
	_ =	sdelay $0x4  }
0x60: {  	v0 =	vpack.c.f32.bf16 v0, v0;
	_ =	sdelay $0x1  }
0x61: {  	[tilespmem:s12+$0xFFFFFFC8] =	vst.msk $0xff, v0  }
0x62: {  	v0 =	vld [tilespmem:s14+$0x10];
	_ =	sdelay $0x4  }
0x63: {  	v0 =	vpack.c.f32.bf16 v0, v0;
	_ =	sdelay $0x1  }
0x64: {  	[tilespmem:s12+$0xFFFFFFD0] =	vst.msk $0xff, v0  }
0x65: {  	v0 =	vld [tilespmem:s14+$0x20];
	_ =	sdelay $0x4  }
0x66: {  	v0 =	vpack.c.f32.bf16 v0, v0;
	_ =	sdelay $0x1  }
0x67: {  	[tilespmem:s12+$0xFFFFFFD8] =	vst.msk $0xff, v0  }
0x68: {  	v0 =	vld [tilespmem:s14+$0x30];
	_ =	sdelay $0x4  }
0x69: {  	v0 =	vpack.c.f32.bf16 v0, v0;
	_ =	sdelay $0x1  }
0x6a: {  	[tilespmem:s12+$0xFFFFFFE0] =	vst.msk $0xff, v0  }
0x6b: {  	v0 =	vld [tilespmem:s14+$0x40];
	_ =	sdelay $0x4  }
0x6c: {  	v0 =	vpack.c.f32.bf16 v0, v0;
	_ =	sdelay $0x1  }
0x6d: {  	[tilespmem:s12+$0xFFFFFFE8] =	vst.msk $0xff, v0  }
0x6e: {  	v0 =	vld [tilespmem:s14+$0x50];
	_ =	sdelay $0x4  }
0x6f: {  	v0 =	vpack.c.f32.bf16 v0, v0;
	_ =	sdelay $0x1  }
0x70: {  	[tilespmem:s12+$0xFFFFFFF0] =	vst.msk $0xff, v0  }
0x71: {  	v0 =	vld [tilespmem:s14+$0x60];
	_ =	sdelay $0x4  }
0x72: {  	v0 =	vpack.c.f32.bf16 v0, v0;
	_ =	sdelay $0x1  }
0x73: {  	[tilespmem:s12+$0xFFFFFFF8] =	vst.msk $0xff, v0  }
0x74: {  	v0 =	vld [tilespmem:s14+$0x70];
	_ =	sdelay $0x2  }
.Ltmp0:
0x75: {  	(pc) =	sbr.rel @p0 .LBB2_2-.Ltmp0, $3  }
0x76: {  	_ = 	snop  }
0x77: {  	v0 =	vpack.c.f32.bf16 v0, v0;
	_ =	sdelay $0x1  }
0x78: {  	s14 =	sadd.s32 $0x100, s14;
	[tilespmem:s12+$0x0] =	vst.msk $0xff, v0  }
0x79: {  	s11 =	sadd.s32 $0x1, s11  }
0x7a: {  	p0 =	sne.s32 s11, s6  }
.Ltmp1:
0x7b: {  	_ = 	snop;
	(pc) =	sbr.rel @p0 .LBB2_1-.Ltmp1, $4  }
0x7c: {  	[hbm4b:s5+s2] =	stream.linear.scatter [tilespmem:s10], [sflag:$0x2], $0x4000, $0x38;
	[tilespmem:$0xC200] =	vst v63  }
0x7d: {  	_ =	swait.ge [sflag:s7], $0x4000  }
0x7e: {  	[sflag:s7] =	ssyncset.done $0x0  }
0x7f: {  	[sflag:s7] =	ssyncadd.s32 $0xFFFFC000  }
0x80: {  	_ =	sfence.sel $0x180000  }
0x81: {  	[bflag:$0x0] =	sbarrier.arrive $0xFFFF  }
0x82: {  	p0 =	sne.s32 s1, $0x0;
	_ =	strace $0x90000047  }
0x83: {  	s0 =	sadd.s32 @!p0 $0x100000, s0;
	[bflag:$0x2] =	sbarrier.arrive $0xFFFF  }
0x84: {  	[sflag:s0] =	ssyncadd.tile.s32 @!p0 $0x1;
	_ =	shalt  }
.Lfunc_end2:
_tile_overlayer_lowered:
.L_overlay_start_2:
0x85: {  	(tag) =	ssettag $0x2  }
0x86: {  	s0 =	rddreg [dreg:$0x0];
	s2 =	stileid.u32  }
0x87: {  	s1 =	rddreg [dreg:$0x1];
	p0 =	sne.s32 s2, $0x0  }
0x88: {  	s3 =	rddreg [dreg:$0x2];
	[bflag:$0x3] =	sbarrier.arrive $0xFFFF;
	s2 =	simm.s32 @!p0 $0x1C02  }
0x89: {  	[timem:s3], [sflag:s2] =	dma.local @!p0 [hbm:s0], s1  }
0x8a: {  	s0 =	simm.s32 @!p0 $0x2  }
0x8b: {  	_ =	swait.ge @!p0 [sflag:s0], s1  }
0x8c: {  	s1 =	ssub.s32 @!p0 $0x0, s1;
	[sflag:s0] =	ssyncset.done @!p0 $0x0  }
0x8d: {  	[sflag:s0] =	ssyncadd.s32 @!p0 s1  }
0x8e: {  	[bflag:$0x3] =	sbarrier.arrive $0xFFFF  }
0x8f: {  	_ =	shalt  }

</sc_bundles>
